<compile_context>
chip_gen: v7x
topology: tpu7x:2x2x1
jax: 0.10.2.dev20260603
libtpu: 0.0.44.dev20260713+nightly
codegen_flags: <defaults>
</compile_context>

<pallas_src>
import functools

import jax
import jax.numpy as jnp
import numpy as np
from jax import lax
from jax.experimental import pallas as pl
from jax.experimental.pallas import tpu as pltpu
from jax.experimental.pallas import tpu_sc as plsc

_MULT_SIZE = 1.2


def _tc_body(species_ref, coordsT_ref, coordsT_out_ref, true_atoms_ref):
    nat = species_ref.shape[0]
    pad_nat = true_atoms_ref.shape[0]
    add = pad_nat - nat
    s = species_ref[...]
    true_atoms_ref[0:nat] = s > 0
    true_atoms_ref[nat:pad_nat] = jnp.zeros((add,), jnp.bool_)
    coordsT_out_ref[:, 0:nat] = coordsT_ref[...]
    coordsT_out_ref[:, nat:pad_nat] = jnp.zeros(
        (coordsT_ref.shape[0], add), coordsT_ref.dtype)


def _make_sc_call(nat, nsys, pad_nat, dtype):
    add = pad_nat - nat
    info = plsc.get_sparse_core_info()
    nw = info.num_cores * info.num_subcores
    chunk = nat // nw
    fill_w = (add // nw) // 8 * 8
    rem = add - nw * fill_w
    rem_off = nat + nw * fill_w
    fbuf_len = max(((fill_w + 15) // 16) * 16, ((rem + 15) // 16) * 16)

    mesh = plsc.VectorSubcoreMesh(core_axis_name="c", subcore_axis_name="s")

    @functools.partial(
        pl.kernel,
        out_type=[
            jax.ShapeDtypeStruct((pad_nat,), dtype),
            jax.ShapeDtypeStruct((nsys + 1,), dtype),
            jax.ShapeDtypeStruct((pad_nat,), dtype),
        ],
        mesh=mesh,
        scratch_types=[
            pltpu.VMEM((chunk,), dtype),
            pltpu.VMEM((chunk,), dtype),
            pltpu.VMEM((fbuf_len,), dtype),
            pltpu.VMEM((32,), dtype),
        ],
    )
    def sc_pad(species_hbm, natoms_hbm, batch_hbm,
               species_out_hbm, natoms_out_hbm, batch_out_hbm,
               sbuf, bbuf, fbuf, nbuf):
        wid = lax.axis_index("s") * info.num_cores + lax.axis_index("c")
        base = wid * chunk
        pltpu.sync_copy(species_hbm.at[pl.ds(base, chunk)], sbuf)
        pltpu.sync_copy(batch_hbm.at[pl.ds(base, chunk)], bbuf)
        pltpu.sync_copy(sbuf, species_out_hbm.at[pl.ds(base, chunk)])
        pltpu.sync_copy(bbuf, batch_out_hbm.at[pl.ds(base, chunk)])
        for i in range(fbuf_len // 16):
            fbuf[pl.ds(16 * i, 16)] = jnp.full((16,), -1, dtype)
        pltpu.sync_copy(fbuf.at[pl.ds(0, fill_w)],
                        species_out_hbm.at[pl.ds(nat + wid * fill_w, fill_w)])
        @pl.when(wid == 0)
        def _():
            pltpu.sync_copy(fbuf.at[pl.ds(0, rem)],
                            species_out_hbm.at[pl.ds(rem_off, rem)])
        for i in range(fbuf_len // 16):
            fbuf[pl.ds(16 * i, 16)] = jnp.full((16,), nsys, dtype)
        pltpu.sync_copy(fbuf.at[pl.ds(0, fill_w)],
                        batch_out_hbm.at[pl.ds(nat + wid * fill_w, fill_w)])
        @pl.when(wid == 0)
        def _():
            pltpu.sync_copy(fbuf.at[pl.ds(0, rem)],
                            batch_out_hbm.at[pl.ds(rem_off, rem)])
        @pl.when(wid == 1)
        def _():
            pltpu.sync_copy(natoms_hbm, nbuf.at[pl.ds(0, nsys)])
            nbuf[pl.ds(nsys, 16)] = jnp.full((16,), add, dtype)
            pltpu.sync_copy(nbuf.at[pl.ds(0, nsys + 1)], natoms_out_hbm)

    return sc_pad


def kernel(species, natoms, batch_index, coordinates, cells):
    nat = species.shape[0]
    nsys = natoms.shape[0]
    pad_nat = int(_MULT_SIZE * nat) + 1
    ndim = coordinates.shape[1]

    sc_pad = _make_sc_call(nat, nsys, pad_nat, species.dtype)
    species_out, natoms_out, batch_out = sc_pad(species, natoms, batch_index)

    tc_out_shape = (
        jax.ShapeDtypeStruct((ndim, pad_nat), coordinates.dtype),
        jax.ShapeDtypeStruct((pad_nat,), jnp.bool_),
    )
    coordsT_out, true_atoms = pl.pallas_call(_tc_body, out_shape=tc_out_shape)(
        species, coordinates.T)

    eye = np.eye(cells.shape[1], dtype=cells.dtype)[None, :, :]
    cells_out = jnp.concatenate([cells, jnp.asarray(eye)], axis=0)
    true_sys = jnp.asarray(np.arange(nsys + 1) < nsys)
    return (species_out, natoms_out, batch_out, coordsT_out.T, cells_out,
            true_atoms, true_sys)

# --- scband reference (transcript-rebuilt; emitter-appended) ---
"""Pipeline reference for scband-atom-padding-17721035063584 (READ-ONLY COPY).

The authoritative reference and input builder live on the scoring server;
editing this copy changes nothing except your own understanding.
"""

import jax, jax.numpy as jnp
import numpy as np

MULT_SIZE = 1.2
NAT = 32768
NSYS = 16

def setup_inputs(seed: int = 0) -> dict:
    key = jax.random.key(seed)
    k1, k2, k3, k4, k5 = jax.random.split(key, 5)
    species = jax.random.randint(k1, (NAT,), 0, 100, dtype=jnp.int32)
    natoms = jax.random.randint(k2, (NSYS,), 0, 4096, dtype=jnp.int32)
    batch_index = jnp.sort(jax.random.randint(k3, (NAT,), 0, NSYS, dtype=jnp.int32))
    coordinates = jax.random.normal(k4, (NAT, 3), dtype=jnp.float32)
    cells = jax.random.normal(k5, (NSYS, 3, 3), dtype=jnp.float32)
    return {"species": species, "natoms": natoms, "batch_index": batch_index, "coordinates": coordinates, "cells": cells}

def reference(species, natoms, batch_index, coordinates, cells):
    nat = species.shape[0]
    nsys = natoms.shape[0]
    # prev_nat starts at 0; nat > 0 so pad to int(mult_size * nat) + 1
    prev_nat = int(MULT_SIZE * nat) + 1
    add_atoms = prev_nat - nat
    # pad per-atom arrays (shape[0] == nat) with zeros
    coordinates_out = jnp.concatenate([coordinates, jnp.zeros((add_atoms,) + coordinates.shape[1:], dtype=coordinates.dtype)], axis=0)
    # per-system arrays (shape[0] == nsys): cells get an identity matrix appended
    cells_out = jnp.concatenate([cells, jnp.eye(3, dtype=cells.dtype)[None, :, :]], axis=0)
    natoms_out = jnp.concatenate([natoms, jnp.array([add_atoms], dtype=natoms.dtype)])
    species_out = jnp.concatenate([species, -1 * jnp.ones((add_atoms,), dtype=species.dtype)])
    batch_index_out = jnp.concatenate([batch_index, jnp.full((add_atoms,), nsys, dtype=batch_index.dtype)])
    true_atoms = species_out > 0
    true_sys = jnp.arange(natoms_out.shape[0]) < nsys
    return (species_out, natoms_out, batch_index_out, coordinates_out, cells_out, true_atoms, true_sys)

if __name__ == "__main__":
    import jax
    _d = setup_inputs()
    print(jax.jit(kernel)(*tuple(_d.values())))

</pallas_src>

<mosaic_0001>
#map = affine_map<(d0, d1) -> (0)>
module attributes {stable_mosaic.version = 14 : i64} {
  func.func @sc_pad(%arg0: i32, %arg1: i32, %arg2: memref<32768xi32, #tpu.memory_space<hbm>>, %arg3: memref<16xi32, #tpu.memory_space<hbm>>, %arg4: memref<32768xi32, #tpu.memory_space<hbm>>, %arg5: memref<39322xi32, #tpu.memory_space<hbm>>, %arg6: memref<17xi32, #tpu.memory_space<hbm>>, %arg7: memref<39322xi32, #tpu.memory_space<hbm>>, %arg8: memref<1024xi32, #tpu.memory_space<vmem>>, %arg9: memref<1024xi32, #tpu.memory_space<vmem>>, %arg10: memref<208xi32, #tpu.memory_space<vmem>>, %arg11: memref<32xi32, #tpu.memory_space<vmem>>) attributes {dimension_semantics = [#tpu.dimension_semantics<core_parallel>, #tpu.dimension_semantics<subcore_parallel>], iteration_bounds = array<i64: 2, 16>, scalar_prefetch = 0 : i64, scratch_operands = 4 : i64, tpu.core_type = #tpu.core_type<sc_vector_subcore>, window_params = [{transform_indices = #map}, {transform_indices = #map}, {transform_indices = #map}, {transform_indices = #map}, {transform_indices = #map}, {transform_indices = #map}]} {
    %mul3A = arith.constant 2 : i32
    %mul3A_0 = arith.muli %arg1, %mul3A : i32
    %add3A = arith.addi %mul3A_0, %arg0 : i32
    %mul3A_1 = arith.constant 1024 : i32
    %mul3A_2 = arith.muli %add3A, %mul3A_1 : i32
    "tpu.region"() ({
      %run_scoped3A = tpu.sem_alloc : memref<!tpu.dma_semaphore, #tpu.memory_space<semaphore_mem>>
      %dma_start3A = tpu.memref_slice %arg2[%mul3A_2] : memref<32768xi32, #tpu.memory_space<hbm>> -> memref<1024xi32, #tpu.memory_space<hbm>>
      %dma_start3A_177 = tpu.memref_slice %arg2[%mul3A_2] : memref<32768xi32, #tpu.memory_space<hbm>> -> memref<1024xi32, #tpu.memory_space<hbm>>
      tpu.enqueue_dma source(%dma_start3A_177 : memref<1024xi32, #tpu.memory_space<hbm>>) target(%arg8 : memref<1024xi32, #tpu.memory_space<vmem>>) target_semaphore(%run_scoped3A : memref<!tpu.dma_semaphore, #tpu.memory_space<semaphore_mem>>)
      %dma_wait3A = tpu.memref_slice %arg2[%mul3A_2] : memref<32768xi32, #tpu.memory_space<hbm>> -> memref<1024xi32, #tpu.memory_space<hbm>>
      %dma_wait3A_178 = tpu.memref_slice %arg2[%mul3A_2] : memref<32768xi32, #tpu.memory_space<hbm>> -> memref<1024xi32, #tpu.memory_space<hbm>>
      tpu.wait_dma2 semaphore(%run_scoped3A : memref<!tpu.dma_semaphore, #tpu.memory_space<semaphore_mem>>) src(%dma_wait3A_178 : memref<1024xi32, #tpu.memory_space<hbm>>) dst(%arg8 : memref<1024xi32, #tpu.memory_space<vmem>>)
      tpu.yield
    }) : () -> ()
    "tpu.region"() ({
      %run_scoped3A = tpu.sem_alloc : memref<!tpu.dma_semaphore, #tpu.memory_space<semaphore_mem>>
      %dma_start3A = tpu.memref_slice %arg4[%mul3A_2] : memref<32768xi32, #tpu.memory_space<hbm>> -> memref<1024xi32, #tpu.memory_space<hbm>>
      %dma_start3A_177 = tpu.memref_slice %arg4[%mul3A_2] : memref<32768xi32, #tpu.memory_space<hbm>> -> memref<1024xi32, #tpu.memory_space<hbm>>
      tpu.enqueue_dma source(%dma_start3A_177 : memref<1024xi32, #tpu.memory_space<hbm>>) target(%arg9 : memref<1024xi32, #tpu.memory_space<vmem>>) target_semaphore(%run_scoped3A : memref<!tpu.dma_semaphore, #tpu.memory_space<semaphore_mem>>)
      %dma_wait3A = tpu.memref_slice %arg4[%mul3A_2] : memref<32768xi32, #tpu.memory_space<hbm>> -> memref<1024xi32, #tpu.memory_space<hbm>>
      %dma_wait3A_178 = tpu.memref_slice %arg4[%mul3A_2] : memref<32768xi32, #tpu.memory_space<hbm>> -> memref<1024xi32, #tpu.memory_space<hbm>>
      tpu.wait_dma2 semaphore(%run_scoped3A : memref<!tpu.dma_semaphore, #tpu.memory_space<semaphore_mem>>) src(%dma_wait3A_178 : memref<1024xi32, #tpu.memory_space<hbm>>) dst(%arg9 : memref<1024xi32, #tpu.memory_space<vmem>>)
      tpu.yield
    }) : () -> ()
    "tpu.region"() ({
      %run_scoped3A = tpu.sem_alloc : memref<!tpu.dma_semaphore, #tpu.memory_space<semaphore_mem>>
      %dma_start3A = tpu.memref_slice %arg5[%mul3A_2] : memref<39322xi32, #tpu.memory_space<hbm>> -> memref<1024xi32, #tpu.memory_space<hbm>>
      %dma_start3A_177 = tpu.memref_slice %arg5[%mul3A_2] : memref<39322xi32, #tpu.memory_space<hbm>> -> memref<1024xi32, #tpu.memory_space<hbm>>
      tpu.enqueue_dma source(%arg8 : memref<1024xi32, #tpu.memory_space<vmem>>) target(%dma_start3A_177 : memref<1024xi32, #tpu.memory_space<hbm>>) target_semaphore(%run_scoped3A : memref<!tpu.dma_semaphore, #tpu.memory_space<semaphore_mem>>)
      %dma_wait3A = tpu.memref_slice %arg5[%mul3A_2] : memref<39322xi32, #tpu.memory_space<hbm>> -> memref<1024xi32, #tpu.memory_space<hbm>>
      %dma_wait3A_178 = tpu.memref_slice %arg5[%mul3A_2] : memref<39322xi32, #tpu.memory_space<hbm>> -> memref<1024xi32, #tpu.memory_space<hbm>>
      tpu.wait_dma2 semaphore(%run_scoped3A : memref<!tpu.dma_semaphore, #tpu.memory_space<semaphore_mem>>) src(%arg8 : memref<1024xi32, #tpu.memory_space<vmem>>) dst(%dma_wait3A_178 : memref<1024xi32, #tpu.memory_space<hbm>>)
      tpu.yield
    }) : () -> ()
    "tpu.region"() ({
      %run_scoped3A = tpu.sem_alloc : memref<!tpu.dma_semaphore, #tpu.memory_space<semaphore_mem>>
      %dma_start3A = tpu.memref_slice %arg7[%mul3A_2] : memref<39322xi32, #tpu.memory_space<hbm>> -> memref<1024xi32, #tpu.memory_space<hbm>>
      %dma_start3A_177 = tpu.memref_slice %arg7[%mul3A_2] : memref<39322xi32, #tpu.memory_space<hbm>> -> memref<1024xi32, #tpu.memory_space<hbm>>
      tpu.enqueue_dma source(%arg9 : memref<1024xi32, #tpu.memory_space<vmem>>) target(%dma_start3A_177 : memref<1024xi32, #tpu.memory_space<hbm>>) target_semaphore(%run_scoped3A : memref<!tpu.dma_semaphore, #tpu.memory_space<semaphore_mem>>)
      %dma_wait3A = tpu.memref_slice %arg7[%mul3A_2] : memref<39322xi32, #tpu.memory_space<hbm>> -> memref<1024xi32, #tpu.memory_space<hbm>>
      %dma_wait3A_178 = tpu.memref_slice %arg7[%mul3A_2] : memref<39322xi32, #tpu.memory_space<hbm>> -> memref<1024xi32, #tpu.memory_space<hbm>>
      tpu.wait_dma2 semaphore(%run_scoped3A : memref<!tpu.dma_semaphore, #tpu.memory_space<semaphore_mem>>) src(%arg9 : memref<1024xi32, #tpu.memory_space<vmem>>) dst(%dma_wait3A_178 : memref<1024xi32, #tpu.memory_space<hbm>>)
      tpu.yield
    }) : () -> ()
    %broadcast_in_dim3A = arith.constant -1 : i32
    %broadcast_in_dim3A_3 = vector.broadcast %broadcast_in_dim3A : i32 to vector<16xi32>
    %swap3A = arith.constant 0 : index
    %swap3A_4 = tpu.vector_load %arg10[%swap3A] {strides = array<i32>} : memref<208xi32, #tpu.memory_space<vmem>>, vector<16xi32>,
    %swap3A_5 = vector.shape_cast %swap3A_4 : vector<16xi32> to vector<16xi32>
    %swap3A_6 = vector.shape_cast %broadcast_in_dim3A_3 : vector<16xi32> to vector<16xi32>
    tpu.vector_store %arg10[%swap3A], %swap3A_6 {strides = array<i32>} : memref<208xi32, #tpu.memory_space<vmem>>, vector<16xi32>,
    %broadcast_in_dim3A_7 = arith.constant -1 : i32
    %broadcast_in_dim3A_8 = vector.broadcast %broadcast_in_dim3A_7 : i32 to vector<16xi32>
    %swap3A_9 = arith.constant 16 : index
    %swap3A_10 = tpu.vector_load %arg10[%swap3A_9] {strides = array<i32>} : memref<208xi32, #tpu.memory_space<vmem>>, vector<16xi32>,
    %swap3A_11 = vector.shape_cast %swap3A_10 : vector<16xi32> to vector<16xi32>
    %swap3A_12 = vector.shape_cast %broadcast_in_dim3A_8 : vector<16xi32> to vector<16xi32>
    tpu.vector_store %arg10[%swap3A_9], %swap3A_12 {strides = array<i32>} : memref<208xi32, #tpu.memory_space<vmem>>, vector<16xi32>,
    %broadcast_in_dim3A_13 = arith.constant -1 : i32
    %broadcast_in_dim3A_14 = vector.broadcast %broadcast_in_dim3A_13 : i32 to vector<16xi32>
    %swap3A_15 = arith.constant 32 : index
    %swap3A_16 = tpu.vector_load %arg10[%swap3A_15] {strides = array<i32>} : memref<208xi32, #tpu.memory_space<vmem>>, vector<16xi32>,
    %swap3A_17 = vector.shape_cast %swap3A_16 : vector<16xi32> to vector<16xi32>
    %swap3A_18 = vector.shape_cast %broadcast_in_dim3A_14 : vector<16xi32> to vector<16xi32>
    tpu.vector_store %arg10[%swap3A_15], %swap3A_18 {strides = array<i32>} : memref<208xi32, #tpu.memory_space<vmem>>, vector<16xi32>,
    %broadcast_in_dim3A_19 = arith.constant -1 : i32
    %broadcast_in_dim3A_20 = vector.broadcast %broadcast_in_dim3A_19 : i32 to vector<16xi32>
    %swap3A_21 = arith.constant 48 : index
    %swap3A_22 = tpu.vector_load %arg10[%swap3A_21] {strides = array<i32>} : memref<208xi32, #tpu.memory_space<vmem>>, vector<16xi32>,
    %swap3A_23 = vector.shape_cast %swap3A_22 : vector<16xi32> to vector<16xi32>
    %swap3A_24 = vector.shape_cast %broadcast_in_dim3A_20 : vector<16xi32> to vector<16xi32>
    tpu.vector_store %arg10[%swap3A_21], %swap3A_24 {strides = array<i32>} : memref<208xi32, #tpu.memory_space<vmem>>, vector<16xi32>,
    %broadcast_in_dim3A_25 = arith.constant -1 : i32
    %broadcast_in_dim3A_26 = vector.broadcast %broadcast_in_dim3A_25 : i32 to vector<16xi32>
    %swap3A_27 = arith.constant 64 : index
    %swap3A_28 = tpu.vector_load %arg10[%swap3A_27] {strides = array<i32>} : memref<208xi32, #tpu.memory_space<vmem>>, vector<16xi32>,
    %swap3A_29 = vector.shape_cast %swap3A_28 : vector<16xi32> to vector<16xi32>
    %swap3A_30 = vector.shape_cast %broadcast_in_dim3A_26 : vector<16xi32> to vector<16xi32>
    tpu.vector_store %arg10[%swap3A_27], %swap3A_30 {strides = array<i32>} : memref<208xi32, #tpu.memory_space<vmem>>, vector<16xi32>,
    %broadcast_in_dim3A_31 = arith.constant -1 : i32
    %broadcast_in_dim3A_32 = vector.broadcast %broadcast_in_dim3A_31 : i32 to vector<16xi32>
    %swap3A_33 = arith.constant 80 : index
    %swap3A_34 = tpu.vector_load %arg10[%swap3A_33] {strides = array<i32>} : memref<208xi32, #tpu.memory_space<vmem>>, vector<16xi32>,
    %swap3A_35 = vector.shape_cast %swap3A_34 : vector<16xi32> to vector<16xi32>
    %swap3A_36 = vector.shape_cast %broadcast_in_dim3A_32 : vector<16xi32> to vector<16xi32>
    tpu.vector_store %arg10[%swap3A_33], %swap3A_36 {strides = array<i32>} : memref<208xi32, #tpu.memory_space<vmem>>, vector<16xi32>,
    %broadcast_in_dim3A_37 = arith.constant -1 : i32
    %broadcast_in_dim3A_38 = vector.broadcast %broadcast_in_dim3A_37 : i32 to vector<16xi32>
    %swap3A_39 = arith.constant 96 : index
    %swap3A_40 = tpu.vector_load %arg10[%swap3A_39] {strides = array<i32>} : memref<208xi32, #tpu.memory_space<vmem>>, vector<16xi32>,
    %swap3A_41 = vector.shape_cast %swap3A_40 : vector<16xi32> to vector<16xi32>
    %swap3A_42 = vector.shape_cast %broadcast_in_dim3A_38 : vector<16xi32> to vector<16xi32>
    tpu.vector_store %arg10[%swap3A_39], %swap3A_42 {strides = array<i32>} : memref<208xi32, #tpu.memory_space<vmem>>, vector<16xi32>,
    %broadcast_in_dim3A_43 = arith.constant -1 : i32
    %broadcast_in_dim3A_44 = vector.broadcast %broadcast_in_dim3A_43 : i32 to vector<16xi32>
    %swap3A_45 = arith.constant 112 : index
    %swap3A_46 = tpu.vector_load %arg10[%swap3A_45] {strides = array<i32>} : memref<208xi32, #tpu.memory_space<vmem>>, vector<16xi32>,
    %swap3A_47 = vector.shape_cast %swap3A_46 : vector<16xi32> to vector<16xi32>
    %swap3A_48 = vector.shape_cast %broadcast_in_dim3A_44 : vector<16xi32> to vector<16xi32>
    tpu.vector_store %arg10[%swap3A_45], %swap3A_48 {strides = array<i32>} : memref<208xi32, #tpu.memory_space<vmem>>, vector<16xi32>,
    %broadcast_in_dim3A_49 = arith.constant -1 : i32
    %broadcast_in_dim3A_50 = vector.broadcast %broadcast_in_dim3A_49 : i32 to vector<16xi32>
    %swap3A_51 = arith.constant 128 : index
    %swap3A_52 = tpu.vector_load %arg10[%swap3A_51] {strides = array<i32>} : memref<208xi32, #tpu.memory_space<vmem>>, vector<16xi32>,
    %swap3A_53 = vector.shape_cast %swap3A_52 : vector<16xi32> to vector<16xi32>
    %swap3A_54 = vector.shape_cast %broadcast_in_dim3A_50 : vector<16xi32> to vector<16xi32>
    tpu.vector_store %arg10[%swap3A_51], %swap3A_54 {strides = array<i32>} : memref<208xi32, #tpu.memory_space<vmem>>, vector<16xi32>,
    %broadcast_in_dim3A_55 = arith.constant -1 : i32
    %broadcast_in_dim3A_56 = vector.broadcast %broadcast_in_dim3A_55 : i32 to vector<16xi32>
    %swap3A_57 = arith.constant 144 : index
    %swap3A_58 = tpu.vector_load %arg10[%swap3A_57] {strides = array<i32>} : memref<208xi32, #tpu.memory_space<vmem>>, vector<16xi32>,
    %swap3A_59 = vector.shape_cast %swap3A_58 : vector<16xi32> to vector<16xi32>
    %swap3A_60 = vector.shape_cast %broadcast_in_dim3A_56 : vector<16xi32> to vector<16xi32>
    tpu.vector_store %arg10[%swap3A_57], %swap3A_60 {strides = array<i32>} : memref<208xi32, #tpu.memory_space<vmem>>, vector<16xi32>,
    %broadcast_in_dim3A_61 = arith.constant -1 : i32
    %broadcast_in_dim3A_62 = vector.broadcast %broadcast_in_dim3A_61 : i32 to vector<16xi32>
    %swap3A_63 = arith.constant 160 : index
    %swap3A_64 = tpu.vector_load %arg10[%swap3A_63] {strides = array<i32>} : memref<208xi32, #tpu.memory_space<vmem>>, vector<16xi32>,
    %swap3A_65 = vector.shape_cast %swap3A_64 : vector<16xi32> to vector<16xi32>
    %swap3A_66 = vector.shape_cast %broadcast_in_dim3A_62 : vector<16xi32> to vector<16xi32>
    tpu.vector_store %arg10[%swap3A_63], %swap3A_66 {strides = array<i32>} : memref<208xi32, #tpu.memory_space<vmem>>, vector<16xi32>,
    %broadcast_in_dim3A_67 = arith.constant -1 : i32
    %broadcast_in_dim3A_68 = vector.broadcast %broadcast_in_dim3A_67 : i32 to vector<16xi32>
    %swap3A_69 = arith.constant 176 : index
    %swap3A_70 = tpu.vector_load %arg10[%swap3A_69] {strides = array<i32>} : memref<208xi32, #tpu.memory_space<vmem>>, vector<16xi32>,
    %swap3A_71 = vector.shape_cast %swap3A_70 : vector<16xi32> to vector<16xi32>
    %swap3A_72 = vector.shape_cast %broadcast_in_dim3A_68 : vector<16xi32> to vector<16xi32>
    tpu.vector_store %arg10[%swap3A_69], %swap3A_72 {strides = array<i32>} : memref<208xi32, #tpu.memory_space<vmem>>, vector<16xi32>,
    %broadcast_in_dim3A_73 = arith.constant -1 : i32
    %broadcast_in_dim3A_74 = vector.broadcast %broadcast_in_dim3A_73 : i32 to vector<16xi32>
    %swap3A_75 = arith.constant 192 : index
    %swap3A_76 = tpu.vector_load %arg10[%swap3A_75] {strides = array<i32>} : memref<208xi32, #tpu.memory_space<vmem>>, vector<16xi32>,
    %swap3A_77 = vector.shape_cast %swap3A_76 : vector<16xi32> to vector<16xi32>
    %swap3A_78 = vector.shape_cast %broadcast_in_dim3A_74 : vector<16xi32> to vector<16xi32>
    tpu.vector_store %arg10[%swap3A_75], %swap3A_78 {strides = array<i32>} : memref<208xi32, #tpu.memory_space<vmem>>, vector<16xi32>,
    %mul3A_79 = arith.constant 200 : i32
    %mul3A_80 = arith.muli %add3A, %mul3A_79 : i32
    %add3A_81 = arith.constant 32768 : i32
    %add3A_82 = arith.addi %add3A_81, %mul3A_80 : i32
    "tpu.region"() ({
      %run_scoped3A = tpu.sem_alloc : memref<!tpu.dma_semaphore, #tpu.memory_space<semaphore_mem>>
      %dma_start3A = arith.constant 0 : i32
      %dma_start3A_177 = tpu.memref_slice %arg10[%dma_start3A] : memref<208xi32, #tpu.memory_space<vmem>> -> memref<200xi32, #tpu.memory_space<vmem>>
      %dma_start3A_178 = tpu.memref_slice %arg5[%add3A_82] : memref<39322xi32, #tpu.memory_space<hbm>> -> memref<200xi32, #tpu.memory_space<hbm>>
      %dma_start3A_179 = tpu.memref_slice %arg5[%add3A_82] : memref<39322xi32, #tpu.memory_space<hbm>> -> memref<200xi32, #tpu.memory_space<hbm>>
      %dma_start3A_180 = arith.constant 0 : i32
      %dma_start3A_181 = tpu.memref_slice %arg10[%dma_start3A_180] : memref<208xi32, #tpu.memory_space<vmem>> -> memref<200xi32, #tpu.memory_space<vmem>>
      tpu.enqueue_dma source(%dma_start3A_181 : memref<200xi32, #tpu.memory_space<vmem>>) target(%dma_start3A_179 : memref<200xi32, #tpu.memory_space<hbm>>) target_semaphore(%run_scoped3A : memref<!tpu.dma_semaphore, #tpu.memory_space<semaphore_mem>>)
      %dma_wait3A = arith.constant 0 : i32
      %dma_wait3A_182 = tpu.memref_slice %arg10[%dma_wait3A] : memref<208xi32, #tpu.memory_space<vmem>> -> memref<200xi32, #tpu.memory_space<vmem>>
      %dma_wait3A_183 = tpu.memref_slice %arg5[%add3A_82] : memref<39322xi32, #tpu.memory_space<hbm>> -> memref<200xi32, #tpu.memory_space<hbm>>
      %dma_wait3A_184 = tpu.memref_slice %arg5[%add3A_82] : memref<39322xi32, #tpu.memory_space<hbm>> -> memref<200xi32, #tpu.memory_space<hbm>>
      %dma_wait3A_185 = arith.constant 0 : i32
      %dma_wait3A_186 = tpu.memref_slice %arg10[%dma_wait3A_185] : memref<208xi32, #tpu.memory_space<vmem>> -> memref<200xi32, #tpu.memory_space<vmem>>
      tpu.wait_dma2 semaphore(%run_scoped3A : memref<!tpu.dma_semaphore, #tpu.memory_space<semaphore_mem>>) src(%dma_wait3A_186 : memref<200xi32, #tpu.memory_space<vmem>>) dst(%dma_wait3A_184 : memref<200xi32, #tpu.memory_space<hbm>>)
      tpu.yield
    }) : () -> ()
    %eq3A = arith.constant 0 : i32
    %eq3A_83 = arith.cmpi eq, %add3A, %eq3A : i32
    %convert_element_type3A = arith.extui %eq3A_83 : i1 to i32
    %cond3A = arith.constant 0 : i32
    %cond3A_84 = arith.cmpi ne, %convert_element_type3A, %cond3A : i32
    scf.if %cond3A_84 {
      "tpu.region"() ({
        %run_scoped3A = tpu.sem_alloc : memref<!tpu.dma_semaphore, #tpu.memory_space<semaphore_mem>>
        %dma_start3A = arith.constant 0 : i32
        %dma_start3A_177 = tpu.memref_slice %arg10[%dma_start3A] : memref<208xi32, #tpu.memory_space<vmem>> -> memref<154xi32, #tpu.memory_space<vmem>>
        %dma_start3A_178 = arith.constant 39168 : i32
        %dma_start3A_179 = tpu.memref_slice %arg5[%dma_start3A_178] : memref<39322xi32, #tpu.memory_space<hbm>> -> memref<154xi32, #tpu.memory_space<hbm>>
        %dma_start3A_180 = arith.constant 39168 : i32
        %dma_start3A_181 = tpu.memref_slice %arg5[%dma_start3A_180] : memref<39322xi32, #tpu.memory_space<hbm>> -> memref<154xi32, #tpu.memory_space<hbm>>
        %dma_start3A_182 = arith.constant 0 : i32
        %dma_start3A_183 = tpu.memref_slice %arg10[%dma_start3A_182] : memref<208xi32, #tpu.memory_space<vmem>> -> memref<154xi32, #tpu.memory_space<vmem>>
        tpu.enqueue_dma source(%dma_start3A_183 : memref<154xi32, #tpu.memory_space<vmem>>) target(%dma_start3A_181 : memref<154xi32, #tpu.memory_space<hbm>>) target_semaphore(%run_scoped3A : memref<!tpu.dma_semaphore, #tpu.memory_space<semaphore_mem>>)
        %dma_wait3A = arith.constant 0 : i32
        %dma_wait3A_184 = tpu.memref_slice %arg10[%dma_wait3A] : memref<208xi32, #tpu.memory_space<vmem>> -> memref<154xi32, #tpu.memory_space<vmem>>
        %dma_wait3A_185 = arith.constant 39168 : i32
        %dma_wait3A_186 = tpu.memref_slice %arg5[%dma_wait3A_185] : memref<39322xi32, #tpu.memory_space<hbm>> -> memref<154xi32, #tpu.memory_space<hbm>>
        %dma_wait3A_187 = arith.constant 39168 : i32
        %dma_wait3A_188 = tpu.memref_slice %arg5[%dma_wait3A_187] : memref<39322xi32, #tpu.memory_space<hbm>> -> memref<154xi32, #tpu.memory_space<hbm>>
        %dma_wait3A_189 = arith.constant 0 : i32
        %dma_wait3A_190 = tpu.memref_slice %arg10[%dma_wait3A_189] : memref<208xi32, #tpu.memory_space<vmem>> -> memref<154xi32, #tpu.memory_space<vmem>>
        tpu.wait_dma2 semaphore(%run_scoped3A : memref<!tpu.dma_semaphore, #tpu.memory_space<semaphore_mem>>) src(%dma_wait3A_190 : memref<154xi32, #tpu.memory_space<vmem>>) dst(%dma_wait3A_188 : memref<154xi32, #tpu.memory_space<hbm>>)
        tpu.yield
      }) : () -> ()
    } else {
    }
    %broadcast_in_dim3A_85 = arith.constant 16 : i32
    %broadcast_in_dim3A_86 = vector.broadcast %broadcast_in_dim3A_85 : i32 to vector<16xi32>
    %swap3A_87 = arith.constant 0 : index
    %swap3A_88 = tpu.vector_load %arg10[%swap3A_87] {strides = array<i32>} : memref<208xi32, #tpu.memory_space<vmem>>, vector<16xi32>,
    %swap3A_89 = vector.shape_cast %swap3A_88 : vector<16xi32> to vector<16xi32>
    %swap3A_90 = vector.shape_cast %broadcast_in_dim3A_86 : vector<16xi32> to vector<16xi32>
    tpu.vector_store %arg10[%swap3A_87], %swap3A_90 {strides = array<i32>} : memref<208xi32, #tpu.memory_space<vmem>>, vector<16xi32>,
    %broadcast_in_dim3A_91 = arith.constant 16 : i32
    %broadcast_in_dim3A_92 = vector.broadcast %broadcast_in_dim3A_91 : i32 to vector<16xi32>
    %swap3A_93 = arith.constant 16 : index
    %swap3A_94 = tpu.vector_load %arg10[%swap3A_93] {strides = array<i32>} : memref<208xi32, #tpu.memory_space<vmem>>, vector<16xi32>,
    %swap3A_95 = vector.shape_cast %swap3A_94 : vector<16xi32> to vector<16xi32>
    %swap3A_96 = vector.shape_cast %broadcast_in_dim3A_92 : vector<16xi32> to vector<16xi32>
    tpu.vector_store %arg10[%swap3A_93], %swap3A_96 {strides = array<i32>} : memref<208xi32, #tpu.memory_space<vmem>>, vector<16xi32>,
    %broadcast_in_dim3A_97 = arith.constant 16 : i32
    %broadcast_in_dim3A_98 = vector.broadcast %broadcast_in_dim3A_97 : i32 to vector<16xi32>
    %swap3A_99 = arith.constant 32 : index
    %swap3A_100 = tpu.vector_load %arg10[%swap3A_99] {strides = array<i32>} : memref<208xi32, #tpu.memory_space<vmem>>, vector<16xi32>,
    %swap3A_101 = vector.shape_cast %swap3A_100 : vector<16xi32> to vector<16xi32>
    %swap3A_102 = vector.shape_cast %broadcast_in_dim3A_98 : vector<16xi32> to vector<16xi32>
    tpu.vector_store %arg10[%swap3A_99], %swap3A_102 {strides = array<i32>} : memref<208xi32, #tpu.memory_space<vmem>>, vector<16xi32>,
    %broadcast_in_dim3A_103 = arith.constant 16 : i32
    %broadcast_in_dim3A_104 = vector.broadcast %broadcast_in_dim3A_103 : i32 to vector<16xi32>
    %swap3A_105 = arith.constant 48 : index
    %swap3A_106 = tpu.vector_load %arg10[%swap3A_105] {strides = array<i32>} : memref<208xi32, #tpu.memory_space<vmem>>, vector<16xi32>,
    %swap3A_107 = vector.shape_cast %swap3A_106 : vector<16xi32> to vector<16xi32>
    %swap3A_108 = vector.shape_cast %broadcast_in_dim3A_104 : vector<16xi32> to vector<16xi32>
    tpu.vector_store %arg10[%swap3A_105], %swap3A_108 {strides = array<i32>} : memref<208xi32, #tpu.memory_space<vmem>>, vector<16xi32>,
    %broadcast_in_dim3A_109 = arith.constant 16 : i32
    %broadcast_in_dim3A_110 = vector.broadcast %broadcast_in_dim3A_109 : i32 to vector<16xi32>
    %swap3A_111 = arith.constant 64 : index
    %swap3A_112 = tpu.vector_load %arg10[%swap3A_111] {strides = array<i32>} : memref<208xi32, #tpu.memory_space<vmem>>, vector<16xi32>,
    %swap3A_113 = vector.shape_cast %swap3A_112 : vector<16xi32> to vector<16xi32>
    %swap3A_114 = vector.shape_cast %broadcast_in_dim3A_110 : vector<16xi32> to vector<16xi32>
    tpu.vector_store %arg10[%swap3A_111], %swap3A_114 {strides = array<i32>} : memref<208xi32, #tpu.memory_space<vmem>>, vector<16xi32>,
    %broadcast_in_dim3A_115 = arith.constant 16 : i32
    %broadcast_in_dim3A_116 = vector.broadcast %broadcast_in_dim3A_115 : i32 to vector<16xi32>
    %swap3A_117 = arith.constant 80 : index
    %swap3A_118 = tpu.vector_load %arg10[%swap3A_117] {strides = array<i32>} : memref<208xi32, #tpu.memory_space<vmem>>, vector<16xi32>,
    %swap3A_119 = vector.shape_cast %swap3A_118 : vector<16xi32> to vector<16xi32>
    %swap3A_120 = vector.shape_cast %broadcast_in_dim3A_116 : vector<16xi32> to vector<16xi32>
    tpu.vector_store %arg10[%swap3A_117], %swap3A_120 {strides = array<i32>} : memref<208xi32, #tpu.memory_space<vmem>>, vector<16xi32>,
    %broadcast_in_dim3A_121 = arith.constant 16 : i32
    %broadcast_in_dim3A_122 = vector.broadcast %broadcast_in_dim3A_121 : i32 to vector<16xi32>
    %swap3A_123 = arith.constant 96 : index
    %swap3A_124 = tpu.vector_load %arg10[%swap3A_123] {strides = array<i32>} : memref<208xi32, #tpu.memory_space<vmem>>, vector<16xi32>,
    %swap3A_125 = vector.shape_cast %swap3A_124 : vector<16xi32> to vector<16xi32>
    %swap3A_126 = vector.shape_cast %broadcast_in_dim3A_122 : vector<16xi32> to vector<16xi32>
    tpu.vector_store %arg10[%swap3A_123], %swap3A_126 {strides = array<i32>} : memref<208xi32, #tpu.memory_space<vmem>>, vector<16xi32>,
    %broadcast_in_dim3A_127 = arith.constant 16 : i32
    %broadcast_in_dim3A_128 = vector.broadcast %broadcast_in_dim3A_127 : i32 to vector<16xi32>
    %swap3A_129 = arith.constant 112 : index
    %swap3A_130 = tpu.vector_load %arg10[%swap3A_129] {strides = array<i32>} : memref<208xi32, #tpu.memory_space<vmem>>, vector<16xi32>,
    %swap3A_131 = vector.shape_cast %swap3A_130 : vector<16xi32> to vector<16xi32>
    %swap3A_132 = vector.shape_cast %broadcast_in_dim3A_128 : vector<16xi32> to vector<16xi32>
    tpu.vector_store %arg10[%swap3A_129], %swap3A_132 {strides = array<i32>} : memref<208xi32, #tpu.memory_space<vmem>>, vector<16xi32>,
    %broadcast_in_dim3A_133 = arith.constant 16 : i32
    %broadcast_in_dim3A_134 = vector.broadcast %broadcast_in_dim3A_133 : i32 to vector<16xi32>
    %swap3A_135 = arith.constant 128 : index
    %swap3A_136 = tpu.vector_load %arg10[%swap3A_135] {strides = array<i32>} : memref<208xi32, #tpu.memory_space<vmem>>, vector<16xi32>,
    %swap3A_137 = vector.shape_cast %swap3A_136 : vector<16xi32> to vector<16xi32>
    %swap3A_138 = vector.shape_cast %broadcast_in_dim3A_134 : vector<16xi32> to vector<16xi32>
    tpu.vector_store %arg10[%swap3A_135], %swap3A_138 {strides = array<i32>} : memref<208xi32, #tpu.memory_space<vmem>>, vector<16xi32>,
    %broadcast_in_dim3A_139 = arith.constant 16 : i32
    %broadcast_in_dim3A_140 = vector.broadcast %broadcast_in_dim3A_139 : i32 to vector<16xi32>
    %swap3A_141 = arith.constant 144 : index
    %swap3A_142 = tpu.vector_load %arg10[%swap3A_141] {strides = array<i32>} : memref<208xi32, #tpu.memory_space<vmem>>, vector<16xi32>,
    %swap3A_143 = vector.shape_cast %swap3A_142 : vector<16xi32> to vector<16xi32>
    %swap3A_144 = vector.shape_cast %broadcast_in_dim3A_140 : vector<16xi32> to vector<16xi32>
    tpu.vector_store %arg10[%swap3A_141], %swap3A_144 {strides = array<i32>} : memref<208xi32, #tpu.memory_space<vmem>>, vector<16xi32>,
    %broadcast_in_dim3A_145 = arith.constant 16 : i32
    %broadcast_in_dim3A_146 = vector.broadcast %broadcast_in_dim3A_145 : i32 to vector<16xi32>
    %swap3A_147 = arith.constant 160 : index
    %swap3A_148 = tpu.vector_load %arg10[%swap3A_147] {strides = array<i32>} : memref<208xi32, #tpu.memory_space<vmem>>, vector<16xi32>,
    %swap3A_149 = vector.shape_cast %swap3A_148 : vector<16xi32> to vector<16xi32>
    %swap3A_150 = vector.shape_cast %broadcast_in_dim3A_146 : vector<16xi32> to vector<16xi32>
    tpu.vector_store %arg10[%swap3A_147], %swap3A_150 {strides = array<i32>} : memref<208xi32, #tpu.memory_space<vmem>>, vector<16xi32>,
    %broadcast_in_dim3A_151 = arith.constant 16 : i32
    %broadcast_in_dim3A_152 = vector.broadcast %broadcast_in_dim3A_151 : i32 to vector<16xi32>
    %swap3A_153 = arith.constant 176 : index
    %swap3A_154 = tpu.vector_load %arg10[%swap3A_153] {strides = array<i32>} : memref<208xi32, #tpu.memory_space<vmem>>, vector<16xi32>,
    %swap3A_155 = vector.shape_cast %swap3A_154 : vector<16xi32> to vector<16xi32>
    %swap3A_156 = vector.shape_cast %broadcast_in_dim3A_152 : vector<16xi32> to vector<16xi32>
    tpu.vector_store %arg10[%swap3A_153], %swap3A_156 {strides = array<i32>} : memref<208xi32, #tpu.memory_space<vmem>>, vector<16xi32>,
    %broadcast_in_dim3A_157 = arith.constant 16 : i32
    %broadcast_in_dim3A_158 = vector.broadcast %broadcast_in_dim3A_157 : i32 to vector<16xi32>
    %swap3A_159 = arith.constant 192 : index
    %swap3A_160 = tpu.vector_load %arg10[%swap3A_159] {strides = array<i32>} : memref<208xi32, #tpu.memory_space<vmem>>, vector<16xi32>,
    %swap3A_161 = vector.shape_cast %swap3A_160 : vector<16xi32> to vector<16xi32>
    %swap3A_162 = vector.shape_cast %broadcast_in_dim3A_158 : vector<16xi32> to vector<16xi32>
    tpu.vector_store %arg10[%swap3A_159], %swap3A_162 {strides = array<i32>} : memref<208xi32, #tpu.memory_space<vmem>>, vector<16xi32>,
    %mul3A_163 = arith.constant 200 : i32
    %mul3A_164 = arith.muli %add3A, %mul3A_163 : i32
    %add3A_165 = arith.constant 32768 : i32
    %add3A_166 = arith.addi %add3A_165, %mul3A_164 : i32
    "tpu.region"() ({
      %run_scoped3A = tpu.sem_alloc : memref<!tpu.dma_semaphore, #tpu.memory_space<semaphore_mem>>
      %dma_start3A = arith.constant 0 : i32
      %dma_start3A_177 = tpu.memref_slice %arg10[%dma_start3A] : memref<208xi32, #tpu.memory_space<vmem>> -> memref<200xi32, #tpu.memory_space<vmem>>
      %dma_start3A_178 = tpu.memref_slice %arg7[%add3A_166] : memref<39322xi32, #tpu.memory_space<hbm>> -> memref<200xi32, #tpu.memory_space<hbm>>
      %dma_start3A_179 = tpu.memref_slice %arg7[%add3A_166] : memref<39322xi32, #tpu.memory_space<hbm>> -> memref<200xi32, #tpu.memory_space<hbm>>
      %dma_start3A_180 = arith.constant 0 : i32
      %dma_start3A_181 = tpu.memref_slice %arg10[%dma_start3A_180] : memref<208xi32, #tpu.memory_space<vmem>> -> memref<200xi32, #tpu.memory_space<vmem>>
      tpu.enqueue_dma source(%dma_start3A_181 : memref<200xi32, #tpu.memory_space<vmem>>) target(%dma_start3A_179 : memref<200xi32, #tpu.memory_space<hbm>>) target_semaphore(%run_scoped3A : memref<!tpu.dma_semaphore, #tpu.memory_space<semaphore_mem>>)
      %dma_wait3A = arith.constant 0 : i32
      %dma_wait3A_182 = tpu.memref_slice %arg10[%dma_wait3A] : memref<208xi32, #tpu.memory_space<vmem>> -> memref<200xi32, #tpu.memory_space<vmem>>
      %dma_wait3A_183 = tpu.memref_slice %arg7[%add3A_166] : memref<39322xi32, #tpu.memory_space<hbm>> -> memref<200xi32, #tpu.memory_space<hbm>>
      %dma_wait3A_184 = tpu.memref_slice %arg7[%add3A_166] : memref<39322xi32, #tpu.memory_space<hbm>> -> memref<200xi32, #tpu.memory_space<hbm>>
      %dma_wait3A_185 = arith.constant 0 : i32
      %dma_wait3A_186 = tpu.memref_slice %arg10[%dma_wait3A_185] : memref<208xi32, #tpu.memory_space<vmem>> -> memref<200xi32, #tpu.memory_space<vmem>>
      tpu.wait_dma2 semaphore(%run_scoped3A : memref<!tpu.dma_semaphore, #tpu.memory_space<semaphore_mem>>) src(%dma_wait3A_186 : memref<200xi32, #tpu.memory_space<vmem>>) dst(%dma_wait3A_184 : memref<200xi32, #tpu.memory_space<hbm>>)
      tpu.yield
    }) : () -> ()
    %eq3A_167 = arith.constant 0 : i32
    %eq3A_168 = arith.cmpi eq, %add3A, %eq3A_167 : i32
    %convert_element_type3A_169 = arith.extui %eq3A_168 : i1 to i32
    %cond3A_170 = arith.constant 0 : i32
    %cond3A_171 = arith.cmpi ne, %convert_element_type3A_169, %cond3A_170 : i32
    scf.if %cond3A_171 {
      "tpu.region"() ({
        %run_scoped3A = tpu.sem_alloc : memref<!tpu.dma_semaphore, #tpu.memory_space<semaphore_mem>>
        %dma_start3A = arith.constant 0 : i32
        %dma_start3A_177 = tpu.memref_slice %arg10[%dma_start3A] : memref<208xi32, #tpu.memory_space<vmem>> -> memref<154xi32, #tpu.memory_space<vmem>>
        %dma_start3A_178 = arith.constant 39168 : i32
        %dma_start3A_179 = tpu.memref_slice %arg7[%dma_start3A_178] : memref<39322xi32, #tpu.memory_space<hbm>> -> memref<154xi32, #tpu.memory_space<hbm>>
        %dma_start3A_180 = arith.constant 39168 : i32
        %dma_start3A_181 = tpu.memref_slice %arg7[%dma_start3A_180] : memref<39322xi32, #tpu.memory_space<hbm>> -> memref<154xi32, #tpu.memory_space<hbm>>
        %dma_start3A_182 = arith.constant 0 : i32
        %dma_start3A_183 = tpu.memref_slice %arg10[%dma_start3A_182] : memref<208xi32, #tpu.memory_space<vmem>> -> memref<154xi32, #tpu.memory_space<vmem>>
        tpu.enqueue_dma source(%dma_start3A_183 : memref<154xi32, #tpu.memory_space<vmem>>) target(%dma_start3A_181 : memref<154xi32, #tpu.memory_space<hbm>>) target_semaphore(%run_scoped3A : memref<!tpu.dma_semaphore, #tpu.memory_space<semaphore_mem>>)
        %dma_wait3A = arith.constant 0 : i32
        %dma_wait3A_184 = tpu.memref_slice %arg10[%dma_wait3A] : memref<208xi32, #tpu.memory_space<vmem>> -> memref<154xi32, #tpu.memory_space<vmem>>
        %dma_wait3A_185 = arith.constant 39168 : i32
        %dma_wait3A_186 = tpu.memref_slice %arg7[%dma_wait3A_185] : memref<39322xi32, #tpu.memory_space<hbm>> -> memref<154xi32, #tpu.memory_space<hbm>>
        %dma_wait3A_187 = arith.constant 39168 : i32
        %dma_wait3A_188 = tpu.memref_slice %arg7[%dma_wait3A_187] : memref<39322xi32, #tpu.memory_space<hbm>> -> memref<154xi32, #tpu.memory_space<hbm>>
        %dma_wait3A_189 = arith.constant 0 : i32
        %dma_wait3A_190 = tpu.memref_slice %arg10[%dma_wait3A_189] : memref<208xi32, #tpu.memory_space<vmem>> -> memref<154xi32, #tpu.memory_space<vmem>>
        tpu.wait_dma2 semaphore(%run_scoped3A : memref<!tpu.dma_semaphore, #tpu.memory_space<semaphore_mem>>) src(%dma_wait3A_190 : memref<154xi32, #tpu.memory_space<vmem>>) dst(%dma_wait3A_188 : memref<154xi32, #tpu.memory_space<hbm>>)
        tpu.yield
      }) : () -> ()
    } else {
    }
    %eq3A_172 = arith.constant 1 : i32
    %eq3A_173 = arith.cmpi eq, %add3A, %eq3A_172 : i32
    %convert_element_type3A_174 = arith.extui %eq3A_173 : i1 to i32
    %cond3A_175 = arith.constant 0 : i32
    %cond3A_176 = arith.cmpi ne, %convert_element_type3A_174, %cond3A_175 : i32
    scf.if %cond3A_176 {
      "tpu.region"() ({
        %run_scoped3A = tpu.sem_alloc : memref<!tpu.dma_semaphore, #tpu.memory_space<semaphore_mem>>
        %dma_start3A = arith.constant 0 : i32
        %dma_start3A_183 = tpu.memref_slice %arg11[%dma_start3A] : memref<32xi32, #tpu.memory_space<vmem>> -> memref<16xi32, #tpu.memory_space<vmem>>
        %dma_start3A_184 = arith.constant 0 : i32
        %dma_start3A_185 = tpu.memref_slice %arg11[%dma_start3A_184] : memref<32xi32, #tpu.memory_space<vmem>> -> memref<16xi32, #tpu.memory_space<vmem>>
        tpu.enqueue_dma source(%arg3 : memref<16xi32, #tpu.memory_space<hbm>>) target(%dma_start3A_185 : memref<16xi32, #tpu.memory_space<vmem>>) target_semaphore(%run_scoped3A : memref<!tpu.dma_semaphore, #tpu.memory_space<semaphore_mem>>)
        %dma_wait3A = arith.constant 0 : i32
        %dma_wait3A_186 = tpu.memref_slice %arg11[%dma_wait3A] : memref<32xi32, #tpu.memory_space<vmem>> -> memref<16xi32, #tpu.memory_space<vmem>>
        %dma_wait3A_187 = arith.constant 0 : i32
        %dma_wait3A_188 = tpu.memref_slice %arg11[%dma_wait3A_187] : memref<32xi32, #tpu.memory_space<vmem>> -> memref<16xi32, #tpu.memory_space<vmem>>
        tpu.wait_dma2 semaphore(%run_scoped3A : memref<!tpu.dma_semaphore, #tpu.memory_space<semaphore_mem>>) src(%arg3 : memref<16xi32, #tpu.memory_space<hbm>>) dst(%dma_wait3A_188 : memref<16xi32, #tpu.memory_space<vmem>>)
        tpu.yield
      }) : () -> ()
      %broadcast_in_dim3A_177 = arith.constant 6554 : i32
      %broadcast_in_dim3A_178 = vector.broadcast %broadcast_in_dim3A_177 : i32 to vector<16xi32>
      %swap3A_179 = arith.constant 16 : index
      %swap3A_180 = tpu.vector_load %arg11[%swap3A_179] {strides = array<i32>} : memref<32xi32, #tpu.memory_space<vmem>>, vector<16xi32>,
      %swap3A_181 = vector.shape_cast %swap3A_180 : vector<16xi32> to vector<16xi32>
      %swap3A_182 = vector.shape_cast %broadcast_in_dim3A_178 : vector<16xi32> to vector<16xi32>
      tpu.vector_store %arg11[%swap3A_179], %swap3A_182 {strides = array<i32>} : memref<32xi32, #tpu.memory_space<vmem>>, vector<16xi32>,
      "tpu.region"() ({
        %run_scoped3A = tpu.sem_alloc : memref<!tpu.dma_semaphore, #tpu.memory_space<semaphore_mem>>
        %dma_start3A = arith.constant 0 : i32
        %dma_start3A_183 = tpu.memref_slice %arg11[%dma_start3A] : memref<32xi32, #tpu.memory_space<vmem>> -> memref<17xi32, #tpu.memory_space<vmem>>
        %dma_start3A_184 = arith.constant 0 : i32
        %dma_start3A_185 = tpu.memref_slice %arg11[%dma_start3A_184] : memref<32xi32, #tpu.memory_space<vmem>> -> memref<17xi32, #tpu.memory_space<vmem>>
        tpu.enqueue_dma source(%dma_start3A_185 : memref<17xi32, #tpu.memory_space<vmem>>) target(%arg6 : memref<17xi32, #tpu.memory_space<hbm>>) target_semaphore(%run_scoped3A : memref<!tpu.dma_semaphore, #tpu.memory_space<semaphore_mem>>)
        %dma_wait3A = arith.constant 0 : i32
        %dma_wait3A_186 = tpu.memref_slice %arg11[%dma_wait3A] : memref<32xi32, #tpu.memory_space<vmem>> -> memref<17xi32, #tpu.memory_space<vmem>>
        %dma_wait3A_187 = arith.constant 0 : i32
        %dma_wait3A_188 = tpu.memref_slice %arg11[%dma_wait3A_187] : memref<32xi32, #tpu.memory_space<vmem>> -> memref<17xi32, #tpu.memory_space<vmem>>
        tpu.wait_dma2 semaphore(%run_scoped3A : memref<!tpu.dma_semaphore, #tpu.memory_space<semaphore_mem>>) src(%dma_wait3A_188 : memref<17xi32, #tpu.memory_space<vmem>>) dst(%arg6 : memref<17xi32, #tpu.memory_space<hbm>>)
        tpu.yield
      }) : () -> ()
    } else {
    }
    return
  }
}

module attributes {stable_mosaic.version = 14 : i64} {
  func.func @_tc_body(%arg0: memref<32768xi32, #tpu.memory_space<vmem>>, %arg1: memref<3x32768xf32, #tpu.memory_space<vmem>>, %arg2: memref<3x39322xf32, #tpu.memory_space<vmem>>, %arg3: memref<39322xi32, #tpu.memory_space<vmem>>) attributes {dimension_semantics = [], scalar_prefetch = 0 : i64, scratch_operands = 0 : i64, tpu.core_type = #tpu.core_type<tc>} {
    %get3A = arith.constant 0 : index
    %get3A_0 = vector.load %arg0[%get3A] : memref<32768xi32, #tpu.memory_space<vmem>>, vector<32768xi32>
    %gt3A = arith.constant 0 : i32
    %gt3A_1 = vector.broadcast %gt3A : i32 to vector<32768xi32>
    %gt3A_2 = arith.cmpi sgt, %get3A_0, %gt3A_1 : vector<32768xi32>
    %swap3A = arith.constant 0 : index
    %swap3A_3 = vector.load %arg3[%swap3A] : memref<39322xi32, #tpu.memory_space<vmem>>, vector<32768xi32>
    %swap3A_4 = arith.extui %gt3A_2 : vector<32768xi1> to vector<32768xi32>
    %swap3A_5 = arith.constant dense<0> : vector<32768xi32>
    %swap3A_6 = arith.cmpi ne, %swap3A_3, %swap3A_5 : vector<32768xi32>
    tpu.vector_store %arg3[%swap3A], %swap3A_4 {strides = array<i32>} : memref<39322xi32, #tpu.memory_space<vmem>>, vector<32768xi32>,
    %broadcast_in_dim3A = arith.constant false
    %broadcast_in_dim3A_7 = vector.broadcast %broadcast_in_dim3A : i1 to vector<6554xi1>
    %swap3A_8 = arith.constant 32768 : index
    %swap3A_9 = vector.load %arg3[%swap3A_8] : memref<39322xi32, #tpu.memory_space<vmem>>, vector<6554xi32>
    %swap3A_10 = arith.extui %broadcast_in_dim3A_7 : vector<6554xi1> to vector<6554xi32>
    %swap3A_11 = arith.constant dense<0> : vector<6554xi32>
    %swap3A_12 = arith.cmpi ne, %swap3A_9, %swap3A_11 : vector<6554xi32>
    tpu.vector_store %arg3[%swap3A_8], %swap3A_10 {strides = array<i32>} : memref<39322xi32, #tpu.memory_space<vmem>>, vector<6554xi32>,
    %get3A_13 = arith.constant 0 : index
    %get3A_14 = arith.constant 0 : index
    %get3A_15 = vector.load %arg1[%get3A_13, %get3A_14] : memref<3x32768xf32, #tpu.memory_space<vmem>>, vector<3x32768xf32>
    %swap3A_16 = arith.constant 0 : index
    %swap3A_17 = arith.constant 0 : index
    %swap3A_18 = vector.load %arg2[%swap3A_16, %swap3A_17] : memref<3x39322xf32, #tpu.memory_space<vmem>>, vector<3x32768xf32>
    tpu.vector_store %arg2[%swap3A_16, %swap3A_17], %get3A_15 {strides = array<i32>} : memref<3x39322xf32, #tpu.memory_space<vmem>>, vector<3x32768xf32>,
    %broadcast_in_dim3A_19 = arith.constant 0.000000e+00 : f32
    %broadcast_in_dim3A_20 = vector.broadcast %broadcast_in_dim3A_19 : f32 to vector<3x6554xf32>
    %swap3A_21 = arith.constant 0 : index
    %swap3A_22 = arith.constant 32768 : index
    %swap3A_23 = vector.load %arg2[%swap3A_21, %swap3A_22] : memref<3x39322xf32, #tpu.memory_space<vmem>>, vector<3x6554xf32>
    tpu.vector_store %arg2[%swap3A_21, %swap3A_22], %broadcast_in_dim3A_20 {strides = array<i32>} : memref<3x39322xf32, #tpu.memory_space<vmem>>, vector<3x6554xf32>,
    return
  }
}

</mosaic_0001>

<sc_bundles>
// kernel: kernel.4.cloned.1.call-start
scs
__scs_entry_jumppad:
0x0: {  	(pc) =	sbr.rel $0x88, $3  }
0x1: {  	(tag) =	ssettag $0x0;
	lr =	simm.s32 $0x1  }
0x2: {  	[smem:$0x3F9C] =	sst lr;
	_ =	strace $0xD0000000  }
0x3: {  	_ = 	snop  }
0x4: {  	_ = 	snop  }
0x5: {  	_ = 	snop  }
0x6: {  	_ = 	snop  }
0x7: {  	_ = 	snop  }
__scs_overlays_trampoline_lowered:
0x8: {  	[smem:$0x3FAB] =	sst s0  }
0x9: {  	[smem:$0x3FAC] =	sst s1  }
0xa: {  	[smem:$0x3FAD] =	sst s2  }
0xb: {  	[smem:$0x3FAE] =	sst s3  }
0xc: {  	[smem:$0x3FAF] =	sst s4  }
0xd: {  	[smem:$0x3FB0] =	sst s5  }
0xe: {  	[smem:$0x3FB1] =	sst s6  }
0xf: {  	[smem:$0x3FB2] =	sst s7  }
0x10: {  	[smem:$0x3FB3] =	sst s8  }
0x11: {  	[smem:$0x3FB4] =	sst s9;
	s0 =	simm.s32 @!p0 $0x0  }
0x12: {  	s1 =	sld [smem:$0x3F9A];
	s0 =	simm.s32 @p0 $0x1  }
0x13: {  	[smem:$0x3FB5] =	sst s0;
	s0 =	simm.s32 @!p1 $0x0  }
0x14: {  	s2 =	sld [smem:$0x3F99];
	s0 =	simm.s32 @p1 $0x1  }
0x15: {  	[smem:$0x3FB6] =	sst s0;
	s0 =	simm.s32 @!p2 $0x0  }
0x16: {  	s3 =	sld [smem:$0x3FDB];
	s0 =	simm.s32 @p2 $0x1  }
0x17: {  	s4 =	simm.s32 $0x1BF5;
	[smem:$0x3FB8] =	sst s0  }
0x18: {  	s0 =	sld [smem:$0x3F9B];
	_ =	swait.ge [sflag:s4], $0x0  }
0x19: {  	s7 =	sld [smem:$0x3F9C]  }
0x1a: {  	s8 =	sadd.s32 $0xFFFFE003, lr  }
0x1b: {  	s9 =	sadd.s32 $0xFFFFFEF7, lr;
	s5 =	simm.s32 $0xFFFFFFFF;
	p2 =	slt.u32 s8, $0xFFFFF086  }
0x1c: {  	p1 =	slt.u32 s9, $0xF7A;
	s5 =	simm.s32 @!p2 $0x0  }
0x1d: {  	s5 =	simm.s32 @p1 $0x1;
	p0 =	seq.s32 s7, s2  }
0x1e: {  	s7 =	smul.u32 @!p0 $0xF7A, s2;
	p2 =	seq.s32 @!p0 s5, $0x0  }
0x1f: {  	s9 =	smul.u32 $0xF7A, s1;
	s8 =	simm.s32 @!p0 $0x1BF5;
	p2 =	por !p2, p0  }
0x20: {  	[sflag:s8] =	ssyncset.s32 @!p0 $0xFFFFF086;
	s6 =	sadd.s32 @!p0 s3, s7;
	s7 =	simm.s32 @!p0 $0x108  }
0x21: {  	s3 =	sadd.s32 s3, s9;
	s6 =	sadd.s32 @!p0 $0x88, s6;
	s7 =	simm.s32 @p2 $0x1082  }
0x22: {  	[simem:s7], [sflag:s8] =	dma.local @!p0 [hbm:s6], $0xF7A  }
0x23: {  	s9 =	sor.u32 $0xD0000000, s2;
	s6 =	simm.s32 $0x108;
	_ =	swait.ge @!p0 [sflag:s8], $0x0  }
0x24: {  	s3 =	sadd.s32 $0x88, s3;
	s6 =	simm.s32 @!p1 $0x1082;
	[sflag:s4] =	ssyncset.s32 $0xFFFFF086  }
0x25: {  	[simem:s6], [sflag:s4] =	dma.local [hbm:s3], $0xF7A  }
0x26: {  	[smem:$0x3F9C] =	sst s1;
	(tag) =	ssettag s2;
	_ =	strace s9  }
0x27: {  	s1 =	sld [smem:$0x3FAC]  }
0x28: {  	s2 =	sld [smem:$0x3FAD]  }
0x29: {  	s4 =	sld [smem:$0x3FAF]  }
0x2a: {  	p0 =	seq.s32 s5, $0x0;
	s5 =	sld [smem:$0x3FB0]  }
0x2b: {  	s6 =	sld [smem:$0x3FB1]  }
0x2c: {  	s7 =	sld [smem:$0x3FB2]  }
0x2d: {  	s3 =	simm.s32 $0x108;
	s8 =	sld [smem:$0x3FB3]  }
0x2e: {  	s3 =	simm.s32 @!p0 $0x1082;
	s9 =	sld [smem:$0x3FB4]  }
0x2f: {  	lr =	sadd.s32 s0, s3;
	s0 =	sld [smem:$0x3FAB]  }
0x30: {  	s3 =	sld [smem:$0x3FAE]  }
0x31: {  	[smem:$0x3FB7] =	sst s10  }
0x32: {  	s10 =	sld [smem:$0x3FB5];
	_ =	sdelay $0x3  }
0x33: {  	p0 =	seq.s32 s10, $0x1;
	s10 =	sld [smem:$0x3FB7];
	_ =	sdelay $0x3  }
0x34: {  	[smem:$0x3FB7] =	sst s10  }
0x35: {  	s10 =	sld [smem:$0x3FB6];
	_ =	sdelay $0x3  }
0x36: {  	p1 =	seq.s32 s10, $0x1;
	s10 =	sld [smem:$0x3FB7];
	_ =	sdelay $0x3  }
0x37: {  	[smem:$0x3FB7] =	sst s10  }
0x38: {  	s10 =	sld [smem:$0x3FB8]  }
0x39: {  	_ = 	snop;
	(pc) =	sbr.ind lr, $3  }
0x3a: {  	_ = 	snop  }
0x3b: {  	_ = 	snop  }
0x3c: {  	p2 =	seq.s32 s10, $0x1;
	s10 =	sld [smem:$0x3FB7]  }
0x3d: {  	_ =	shalt  }
0x3e: {  	_ =	shalt  }
0x3f: {  	_ =	shalt  }
0x40: {  	_ =	shalt  }
0x41: {  	_ =	shalt  }
0x42: {  	_ =	shalt  }
0x43: {  	_ =	shalt  }
0x44: {  	_ =	shalt  }
0x45: {  	_ =	shalt  }
0x46: {  	_ =	shalt  }
0x47: {  	_ =	shalt  }
0x48: {  	_ =	shalt  }
0x49: {  	_ =	shalt  }
0x4a: {  	_ =	shalt  }
0x4b: {  	_ =	shalt  }
0x4c: {  	_ =	shalt  }
0x4d: {  	_ =	shalt  }
0x4e: {  	_ =	shalt  }
0x4f: {  	_ =	shalt  }
0x50: {  	_ =	shalt  }
0x51: {  	_ =	shalt  }
0x52: {  	_ =	shalt  }
0x53: {  	_ =	shalt  }
0x54: {  	_ =	shalt  }
0x55: {  	_ =	shalt  }
0x56: {  	_ =	shalt  }
0x57: {  	_ =	shalt  }
0x58: {  	_ =	shalt  }
0x59: {  	_ =	shalt  }
0x5a: {  	_ =	shalt  }
0x5b: {  	_ =	shalt  }
0x5c: {  	_ =	shalt  }
0x5d: {  	_ =	shalt  }
0x5e: {  	_ =	shalt  }
0x5f: {  	_ =	shalt  }
0x60: {  	_ =	shalt  }
0x61: {  	_ =	shalt  }
0x62: {  	_ =	shalt  }
0x63: {  	_ =	shalt  }
0x64: {  	_ =	shalt  }
0x65: {  	_ =	shalt  }
0x66: {  	_ =	shalt  }
0x67: {  	_ =	shalt  }
0x68: {  	_ =	shalt  }
0x69: {  	_ =	shalt  }
0x6a: {  	_ =	shalt  }
0x6b: {  	_ =	shalt  }
0x6c: {  	_ =	shalt  }
0x6d: {  	_ =	shalt  }
0x6e: {  	_ =	shalt  }
0x6f: {  	_ =	shalt  }
0x70: {  	_ =	shalt  }
0x71: {  	_ =	shalt  }
0x72: {  	_ =	shalt  }
0x73: {  	_ =	shalt  }
0x74: {  	_ =	shalt  }
0x75: {  	_ =	shalt  }
0x76: {  	_ =	shalt  }
0x77: {  	_ =	shalt  }
0x78: {  	_ =	shalt  }
0x79: {  	_ =	shalt  }
0x7a: {  	_ =	shalt  }
0x7b: {  	_ =	shalt  }
0x7c: {  	_ =	shalt  }
0x7d: {  	_ =	shalt  }
0x7e: {  	_ =	shalt  }
0x7f: {  	_ =	shalt  }
0x80: {  	_ =	shalt  }
0x81: {  	_ =	shalt  }
0x82: {  	_ =	shalt  }
0x83: {  	_ =	shalt  }
0x84: {  	_ =	shalt  }
0x85: {  	_ =	shalt  }
0x86: {  	_ =	shalt  }
0x87: {  	_ =	shalt  }
.Lfunc_end0:
.L_simem_size_0:
called_computation_lowered:
.L_overlay_start_0:
0x88: {  	s2 =	sld [smem:$0x3FD9]  }
0x89: {  	s3 =	sld [smem:$0x3FFE];
	_ =	sdelay $0x1  }
0x8a: {  	s1 =	srdreg.scid  }
0x8b: {  	s0 =	sand.u32 $0x1, s1  }
0x8c: {  	s15 =	sshll.u32 s0, $0xA;
	s2 =	sadd.s32 s3, s2  }
0x8d: {  	s2 =	sadd.s32 s2, s15  }
0x8e: {  	[smem:$0x3FC3] =	sst s2  }
0x8f: {  	_ = 	snop  }
0x90: {  	s2 =	sld [smem:$0x3FD0]  }
0x91: {  	s16 =	sld [smem:$0x3FC9]  }
0x92: {  	s4 =	sld [smem:$0x3FC8]  }
0x93: {  	s6 =	simm.s32 $0xA;
	s7 =	simm.s32 $0x10;
	s5 =	sld [smem:$0x3FC7]  }
0x94: {  	[smem:s7], [sflag:s6] =	dma.local [hbm:s2], $0x1  }
0x95: {  	_ =	swait.eq [sflag:s6], $0x1  }
0x96: {  	s17 =	sld [smem:$0x10];
	[sflag:s6] =	ssyncset.done $0x0  }
0x97: {  	s18 =	sld [smem:$0x11];
	[sflag:s6] =	ssyncadd.s32 $0xFFFFFFFF  }
0x98: {  	s19 =	sld [smem:$0x12];
	(tm) =	ssettm $0x1  }
0x99: {  	s8 =	sld [smem:$0x3FFB];
	_ =	sdelay $0x3  }
0x9a: {  	_ =	strace s8  }
0x9b: {  	s8 =	sld [smem:$0x3FFC];
	_ =	sdelay $0x3  }
0x9c: {  	_ =	strace s8  }
0x9d: {  	s8 =	sld [smem:$0x3FFD];
	_ =	sdelay $0x3  }
0x9e: {  	_ =	strace s8  }
0x9f: {  	_ =	strace $0x8FFFFFFF  }
0xa0: {  	s20 =	sld [smem:$0x3FDB];
	_ =	sdelay $0x1  }
0xa1: {  	s9 =	simm.s32 $_scs_section_size  }
0xa2: {  	s10 =	simm.s32 $_size__tile_overlayer_lowered;
	s11 =	simm.s32 $_tile_overlayer_lowered  }
0xa3: {  	s23 =	simm.s32 $0x1BFF;
	s22 =	sshll.u32 s11, $0x1;
	s8 =	sadd.s32 s9, s20  }
0xa4: {  	s12 =	simm.s32 $0x0;
	s21 =	sshll.u32 s10, $0x1;
	s10 =	sadd.s32 s22, s8  }
0xa5: {  	[timem:s12], [sflag:s23] =	dma.local [hbm:s10], s21  }
0xa6: {  	_ =	swait.ge [sflag:s23], s21  }
0xa7: {  	s9 =	ssub.s32 $0x0, s21;
	[sflag:s23] =	ssyncset.done $0x0  }
0xa8: {  	[sflag:s23] =	ssyncadd.s32 s9;
	_ =	sdelay $0x1  }
0xa9: {  	s24 =	simm.s32 $0x1B8B  }
0xaa: {  	_ =	swait.ge [sflag:s24], $0x1  }
0xab: {  	[sflag:s24] =	ssyncset.done $0x0  }
0xac: {  	s25 =	simm.s32 $0x1B8E;
	[sflag:s24] =	ssyncadd.s32 $0xFFFFFFFF  }
0xad: {  	s26 =	simm.s32 $execute0_lowered;
	[smem:$0x3FD2] =	sst s25  }
0xae: {  	s9 =	sshll.u32 s26, $0x1;
	_ =	strace $0x80000046;
	[dreg:$0x1] =	wrdreg $0xFFFFFFFF  }
0xaf: {  	s28 =	simm.s32 $_size_execute0_lowered;
	s8 =	sadd.s32 s8, s9;
	[dreg:$0x0] =	wrdreg $0x0  }
0xb0: {  	s9 =	sshll.u32 s28, $0x1;
	[dreg:$0x2] =	wrdreg s8  }
0xb1: {  	[dreg:$0x3] =	wrdreg s9  }
0xb2: {  	[dreg:$0x4] =	wrdreg $0xC0  }
0xb3: {  	_ =	task [dreg:s12], $0x5FFFF  }
0xb4: {  	[dreg:$0x1] =	wrdreg $0xFFFFFFFF  }
0xb5: {  	[dreg:$0x0] =	wrdreg $0x60  }
0xb6: {  	[dreg:$0x2] =	wrdreg s16  }
0xb7: {  	[dreg:$0x3] =	wrdreg s4  }
0xb8: {  	[dreg:$0x4] =	wrdreg s5  }
0xb9: {  	[dreg:$0x5] =	wrdreg s17  }
0xba: {  	[dreg:$0x6] =	wrdreg s18  }
0xbb: {  	[dreg:$0x7] =	wrdreg s19  }
0xbc: {  	[dreg:$0x8] =	wrdreg $0x9  }
0xbd: {  	_ =	task.clear_ibuf [dreg:s12], $0x9FFFF;
	_ =	strace $0x90000046  }
0xbe: {  	s29 =	simm.s32 $0x9;
	_ =	strace $0x80000048  }
0xbf: {  	_ =	swait.ge [sflag:s29], $0x1  }
0xc0: {  	[sflag:s29] =	ssyncadd.s32 $0xFFFFFFFF  }
0xc1: {  	_ =	strace $0x90000048  }
0xc2: {  	_ =	sfence  }
0xc3: {  	s30 =	sld [smem:$0x0];
	_ =	sdelay $0x2  }
0xc4: {  	s31 =	sshll.u32 s1, $0xD;
	s1 =	sshrl.u32 s1, $0x2  }
0xc5: {  	s3 =	sand.u32 $0x4000, s31;
	s1 =	sadd.s32 s1, s30  }
0xc6: {  	s0 =	sor.u32 s3, s0;
	s1 =	sshll.u32 s1, $0x11  }
0xc7: {  	s0 =	sor.u32 s1, s0  }
0xc8: {  	s0 =	sadd.s32 $0x8F2B, s0  }
0xc9: {  	[sflag:s0] =	ssyncadd.remote.s32 $0x1  }
0xca: {  	_ =	sfence.sel $0xFFFF  }
0xcb: {  	[dreg:$0x0] =	wrdreg $0xFFFFFFFF;
	(pc) =	sbr.abs _section_cstart, $3  }
0xcc: {  	[dreg:$0x1] =	wrdreg $0xFFFFFFFF  }
0xcd: {  	_ =	task.clear_ibuf [dreg:s12], $0x2FFFF;
	_ =	strace $0x9FFFFFFF  }
0xce: {  	(tm) =	ssettm $0x7FFFFFFF  }
0xcf: {  	_ =	shalt  }
tec
execute0_lowered:
.L_overlay_start_1:
0x0: {  	(tag) =	ssettag $0x1  }
0x1: {  	s5 =	rddreg [dreg:$0x0]  }
0x2: {  	s3 =	rddreg [dreg:$0x1]  }
0x3: {  	s7 =	rddreg [dreg:$0x2]  }
0x4: {  	s14 =	rddreg [dreg:$0x3]  }
0x5: {  	s2 =	rddreg [dreg:$0x4]  }
0x6: {  	s1 =	srdreg.scid;
	s0 =	stileid.u32  }
0x7: {  	s13 =	rddreg [dreg:$0x5];
	s19 =	sand.u32 $0x1, s1;
	s6 =	sshll.u32 s0, $0x1  }
0x8: {  	s4 =	simm.s32 $0x0;
	s1 =	rddreg [dreg:$0x6];
	s18 =	sor.u32 s19, s6  }
0x9: {  	[smem:$0x7FF] =	sst s4;
	s10 =	sshll.u32 s18, $0x7  }
0xa: {  	_ =	strace $0x80000047;
	s6 =	sadd.s32 s5, s10;
	s5 =	simm.s32 $0x1  }
0xb: {  	[tilespmem:s4], [sflag:$0x1] =	stream.linear.gather [hbm4b:s6+s4], $0x400, $0x38;
	[tilespmem:$0x980] =	vst v63  }
0xc: {  	_ =	swait.ge [sflag:s5], $0x400  }
0xd: {  	[sflag:s5] =	ssyncset.done $0x0  }
0xe: {  	s8 =	simm.s32 $0x400;
	s7 =	sadd.s32 s7, s10;
	[sflag:s5] =	ssyncadd.s32 $0xFFFFFC00  }
0xf: {  	[tilespmem:s8], [sflag:$0x1] =	stream.linear.gather [hbm4b:s7+s4], $0x400, $0x38;
	[tilespmem:$0x980] =	vst v63  }
0x10: {  	_ =	swait.ge [sflag:s5], $0x400  }
0x11: {  	[sflag:s5] =	ssyncset.done $0x0  }
0x12: {  	s9 =	sadd.s32 s14, s10;
	[sflag:s5] =	ssyncadd.s32 $0xFFFFFC00  }
0x13: {  	[hbm4b:s9+s4] =	stream.linear.scatter [tilespmem:s4], [sflag:$0x1], $0x400, $0x38;
	[tilespmem:$0x980] =	vst v63  }
0x14: {  	_ =	swait.ge [sflag:s5], $0x400  }
0x15: {  	[sflag:s5] =	ssyncset.done $0x0  }
0x16: {  	s10 =	sadd.s32 s13, s10;
	[sflag:s5] =	ssyncadd.s32 $0xFFFFFC00  }
0x17: {  	[hbm4b:s10+s4] =	stream.linear.scatter [tilespmem:s8], [sflag:$0x1], $0x400, $0x38;
	[tilespmem:$0x980] =	vst v63  }
0x18: {  	_ =	swait.ge [sflag:s5], $0x400  }
0x19: {  	[sflag:s5] =	ssyncset.done $0x0  }
0x1a: {  	v0 =	vimm.s32 $0xFFFFFFFF;
	[sflag:s5] =	ssyncadd.s32 $0xFFFFFC00  }
0x1b: {  	[tilespmem:$0x8C0] =	vst v0  }
0x1c: {  	[tilespmem:$0x8B0] =	vst v0  }
0x1d: {  	[tilespmem:$0x8A0] =	vst v0  }
0x1e: {  	[tilespmem:$0x890] =	vst v0  }
0x1f: {  	[tilespmem:$0x880] =	vst v0  }
0x20: {  	[tilespmem:$0x870] =	vst v0  }
0x21: {  	[tilespmem:$0x860] =	vst v0  }
0x22: {  	[tilespmem:$0x850] =	vst v0  }
0x23: {  	[tilespmem:$0x840] =	vst v0  }
0x24: {  	s11 =	smul.u32 $0x19, s18;
	[tilespmem:$0x830] =	vst v0  }
0x25: {  	[tilespmem:$0x820] =	vst v0  }
0x26: {  	s19 =	ssub.s32 $0x2, s19;
	s20 =	sor.u32 $0x1000, s11;
	[tilespmem:$0x800] =	vst v0  }
0x27: {  	p2 =	sne.s32 s18, $0x0;
	s11 =	simm.s32 $0x800;
	s12 =	sadd.s32 s14, s20;
	[tilespmem:$0x810] =	vst v0  }
0x28: {  	[hbm4b:s12+s4] =	stream.linear.scatter [tilespmem:s11], [sflag:$0x1], $0xC8, $0x38;
	[tilespmem:$0x980] =	vst v63  }
0x29: {  	s21 =	sshrl.u32 s19, $0x1;
	s15 =	simm.s32 @!p2 $0x1;
	_ =	swait.ge [sflag:s5], $0xC8  }
0x2a: {  	s16 =	simm.s32 @!p2 $0x0;
	s17 =	simm.s32 @!p2 $0x800;
	[sflag:s5] =	ssyncset.done $0x0  }
0x2b: {  	s19 =	ssub.s32 s19, s21;
	s14 =	sadd.s32 $0x1320, s14;
	[sflag:s5] =	ssyncadd.s32 $0xFFFFFF38  }
0x2c: {  	[hbm4b:s14+s16] =	stream.linear.scatter @!p2 [tilespmem:s17], [sflag:$0x1], $0x9A, $0x38;
	[tilespmem:$0x980] =	vst v63  }
0x2d: {  	s19 =	smax.u32 s19, $0x1;
	_ =	swait.ge @!p2 [sflag:s15], $0x9A  }
0x2e: {  	s19 =	sadd.s32 $0xFFFFFFFF, s19;
	[sflag:s15] =	ssyncset.done @!p2 $0x0  }
0x2f: {  	v1 =	vimm.s32 $0x10;
	p3 =	sne.s32 s19, $0x0;
	[sflag:s15] =	ssyncadd.s32 @!p2 $0xFFFFFF66  }
.Ltmp0:
0x30: {  	[tilespmem:$0x800] =	vst v1;
	(pc) =	sbr.rel @!p3 .LBB2_2-.Ltmp0, $4  }
0x31: {  	[tilespmem:$0x8C0] =	vst v1  }
0x32: {  	p0 =	seq.s32 s18, $0x1;
	[tilespmem:$0x840] =	vst v1  }
0x33: {  	p1 =	sne.s32 @!p0 s18, $0x0;
	[tilespmem:$0x8B0] =	vst v1  }
0x34: {  	p1 =	por p1, p0;
	s18 =	sadd.s32 s13, s20;
	s13 =	sadd.s32 $0x1320, s13;
	[tilespmem:$0x850] =	vst v1  }
.LBB2_1:
0x35: {  	s19 =	sadd.s32 $0xFFFFFFFF, s19;
	[tilespmem:$0x8A0] =	vst v1  }
0x36: {  	p3 =	sne.s32 s19, $0x0;
	[tilespmem:$0x810] =	vst v1  }
0x37: {  	[tilespmem:$0x870] =	vst v1  }
0x38: {  	[tilespmem:$0x890] =	vst v1  }
0x39: {  	[tilespmem:$0x860] =	vst v1  }
0x3a: {  	[tilespmem:$0x830] =	vst v1  }
0x3b: {  	[tilespmem:$0x880] =	vst v1  }
0x3c: {  	[tilespmem:$0x820] =	vst v1  }
0x3d: {  	[hbm4b:s18+s4] =	stream.linear.scatter [tilespmem:s11], [sflag:$0x1], $0xC8, $0x38;
	[tilespmem:$0x980] =	vst v63  }
0x3e: {  	_ =	swait.ge [sflag:s5], $0xC8  }
0x3f: {  	s20 =	simm.s32 @p0 $0x0;
	s21 =	simm.s32 @p0 $0x900;
	[sflag:s5] =	ssyncset.done $0x0  }
0x40: {  	s22 =	simm.s32 @p0 $0x1;
	[sflag:s5] =	ssyncadd.s32 $0xFFFFFF38  }
0x41: {  	[tilespmem:s21], [sflag:$0x1] =	stream.linear.gather @p0 [hbm4b:s3+s20], $0x10, $0x38;
	[tilespmem:$0x980] =	vst v63  }
0x42: {  	_ =	swait.ge @p0 [sflag:s22], $0x10  }
0x43: {  	v2 =	vimm.s32 @p0 $0x199A;
	[sflag:s22] =	ssyncset.done @p0 $0x0  }
0x44: {  	[sflag:s22] =	ssyncadd.s32 @p0 $0xFFFFFFF0  }
0x45: {  	[tilespmem:$0x910] =	vst @p0 v2  }
0x46: {  	[hbm4b:s2+s20] =	stream.linear.scatter @p0 [tilespmem:s21], [sflag:$0x1], $0x11, $0x38;
	[tilespmem:$0x980] =	vst v63  }
0x47: {  	_ =	swait.ge @p0 [sflag:s22], $0x11  }
0x48: {  	s20 =	simm.s32 @!p1 $0x0;
	s21 =	simm.s32 @!p1 $0x800;
	[sflag:s22] =	ssyncset.done @p0 $0x0  }
0x49: {  	[sflag:s22] =	ssyncadd.s32 @p0 $0xFFFFFFEF;
	s22 =	simm.s32 @!p1 $0x1  }
0x4a: {  	[hbm4b:s13+s20] =	stream.linear.scatter @!p1 [tilespmem:s21], [sflag:$0x1], $0x9A, $0x38;
	[tilespmem:$0x980] =	vst v63  }
0x4b: {  	_ =	swait.ge @!p1 [sflag:s22], $0x9A  }
0x4c: {  	[sflag:s22] =	ssyncset.done @!p1 $0x0  }
0x4d: {  	[sflag:s22] =	ssyncadd.s32 @!p1 $0xFFFFFF66  }
0x4e: {  	[tilespmem:s4], [sflag:$0x1] =	stream.linear.gather [hbm4b:s6+s4], $0x400, $0x38;
	[tilespmem:$0x980] =	vst v63  }
0x4f: {  	_ =	swait.ge [sflag:s5], $0x400  }
0x50: {  	[sflag:s5] =	ssyncset.done $0x0  }
0x51: {  	[sflag:s5] =	ssyncadd.s32 $0xFFFFFC00  }
0x52: {  	[tilespmem:s8], [sflag:$0x1] =	stream.linear.gather [hbm4b:s7+s4], $0x400, $0x38;
	[tilespmem:$0x980] =	vst v63  }
0x53: {  	_ =	swait.ge [sflag:s5], $0x400  }
0x54: {  	[sflag:s5] =	ssyncset.done $0x0  }
0x55: {  	[sflag:s5] =	ssyncadd.s32 $0xFFFFFC00  }
0x56: {  	[hbm4b:s9+s4] =	stream.linear.scatter [tilespmem:s4], [sflag:$0x1], $0x400, $0x38;
	[tilespmem:$0x980] =	vst v63  }
0x57: {  	_ =	swait.ge [sflag:s5], $0x400  }
0x58: {  	[sflag:s5] =	ssyncset.done $0x0  }
0x59: {  	[sflag:s5] =	ssyncadd.s32 $0xFFFFFC00  }
0x5a: {  	[hbm4b:s10+s4] =	stream.linear.scatter [tilespmem:s8], [sflag:$0x1], $0x400, $0x38;
	[tilespmem:$0x980] =	vst v63  }
0x5b: {  	_ =	swait.ge [sflag:s5], $0x400  }
0x5c: {  	[sflag:s5] =	ssyncset.done $0x0  }
0x5d: {  	[sflag:s5] =	ssyncadd.s32 $0xFFFFFC00  }
0x5e: {  	[tilespmem:$0x8C0] =	vst v0  }
0x5f: {  	[tilespmem:$0x8B0] =	vst v0  }
0x60: {  	[tilespmem:$0x8A0] =	vst v0  }
0x61: {  	[tilespmem:$0x890] =	vst v0  }
0x62: {  	[tilespmem:$0x880] =	vst v0  }
0x63: {  	[tilespmem:$0x870] =	vst v0  }
0x64: {  	[tilespmem:$0x860] =	vst v0  }
0x65: {  	[tilespmem:$0x850] =	vst v0  }
0x66: {  	[tilespmem:$0x840] =	vst v0  }
0x67: {  	[tilespmem:$0x830] =	vst v0  }
0x68: {  	[tilespmem:$0x820] =	vst v0  }
0x69: {  	[tilespmem:$0x800] =	vst v0  }
0x6a: {  	[tilespmem:$0x810] =	vst v0  }
0x6b: {  	[hbm4b:s12+s4] =	stream.linear.scatter [tilespmem:s11], [sflag:$0x1], $0xC8, $0x38;
	[tilespmem:$0x980] =	vst v63  }
0x6c: {  	_ =	swait.ge [sflag:s5], $0xC8  }
0x6d: {  	[sflag:s5] =	ssyncset.done $0x0  }
0x6e: {  	[sflag:s5] =	ssyncadd.s32 $0xFFFFFF38  }
0x6f: {  	[hbm4b:s14+s16] =	stream.linear.scatter @!p2 [tilespmem:s17], [sflag:$0x1], $0x9A, $0x38;
	[tilespmem:$0x980] =	vst v63  }
0x70: {  	_ =	swait.ge @!p2 [sflag:s15], $0x9A  }
0x71: {  	[sflag:s15] =	ssyncset.done @!p2 $0x0  }
0x72: {  	[sflag:s15] =	ssyncadd.s32 @!p2 $0xFFFFFF66  }
.Ltmp1:
0x73: {  	[tilespmem:$0x800] =	vst v1;
	(pc) =	sbr.rel @p3 .LBB2_1-.Ltmp1, $4  }
0x74: {  	[tilespmem:$0x8C0] =	vst v1  }
0x75: {  	[tilespmem:$0x840] =	vst v1  }
0x76: {  	[tilespmem:$0x8B0] =	vst v1  }
0x77: {  	[tilespmem:$0x850] =	vst v1  }
.LBB2_2:
0x78: {  	[tilespmem:$0x8A0] =	vst v1  }
0x79: {  	[tilespmem:$0x810] =	vst v1  }
0x7a: {  	[tilespmem:$0x870] =	vst v1  }
0x7b: {  	[tilespmem:$0x890] =	vst v1  }
0x7c: {  	[tilespmem:$0x860] =	vst v1  }
0x7d: {  	[tilespmem:$0x830] =	vst v1  }
0x7e: {  	[tilespmem:$0x880] =	vst v1  }
0x7f: {  	[tilespmem:$0x820] =	vst v1  }
0x80: {  	[hbm4b:s18+s4] =	stream.linear.scatter [tilespmem:s11], [sflag:$0x1], $0xC8, $0x38;
	[tilespmem:$0x980] =	vst v63  }
0x81: {  	_ =	swait.ge [sflag:s5], $0xC8  }
0x82: {  	s6 =	simm.s32 @p0 $0x900;
	[sflag:s5] =	ssyncset.done $0x0  }
0x83: {  	s4 =	simm.s32 @p0 $0x0;
	[sflag:s5] =	ssyncadd.s32 $0xFFFFFF38;
	s5 =	simm.s32 @p0 $0x1  }
0x84: {  	[tilespmem:s6], [sflag:$0x1] =	stream.linear.gather @p0 [hbm4b:s3+s4], $0x10, $0x38;
	[tilespmem:$0x980] =	vst v63  }
0x85: {  	_ =	swait.ge @p0 [sflag:s5], $0x10  }
0x86: {  	[sflag:s5] =	ssyncset.done @p0 $0x0  }
0x87: {  	v0 =	vimm.s32 @p0 $0x199A;
	[sflag:s5] =	ssyncadd.s32 @p0 $0xFFFFFFF0  }
0x88: {  	[tilespmem:$0x910] =	vst @p0 v0  }
0x89: {  	[hbm4b:s2+s4] =	stream.linear.scatter @p0 [tilespmem:s6], [sflag:$0x1], $0x11, $0x38;
	[tilespmem:$0x980] =	vst v63  }
0x8a: {  	_ =	swait.ge @p0 [sflag:s5], $0x11  }
0x8b: {  	s3 =	simm.s32 @!p1 $0x800;
	[sflag:s5] =	ssyncset.done @p0 $0x0  }
0x8c: {  	s2 =	simm.s32 @!p1 $0x0;
	s4 =	simm.s32 @!p1 $0x1;
	[sflag:s5] =	ssyncadd.s32 @p0 $0xFFFFFFEF  }
0x8d: {  	[hbm4b:s13+s2] =	stream.linear.scatter @!p1 [tilespmem:s3], [sflag:$0x1], $0x9A, $0x38;
	[tilespmem:$0x980] =	vst v63  }
0x8e: {  	_ =	swait.ge @!p1 [sflag:s4], $0x9A  }
0x8f: {  	[sflag:s4] =	ssyncset.done @!p1 $0x0  }
0x90: {  	[sflag:s4] =	ssyncadd.s32 @!p1 $0xFFFFFF66  }
0x91: {  	_ =	sfence.sel $0x180000  }
0x92: {  	[bflag:$0x0] =	sbarrier.arrive $0xFFFF  }
0x93: {  	p0 =	sne.s32 s0, $0x0;
	_ =	strace $0x90000047  }
0x94: {  	s0 =	sadd.s32 @!p0 $0x100000, s1;
	[bflag:$0x2] =	sbarrier.arrive $0xFFFF  }
0x95: {  	[sflag:s0] =	ssyncadd.tile.s32 @!p0 $0x1;
	_ =	shalt  }
.Lfunc_end2:
_tile_overlayer_lowered:
.L_overlay_start_2:
0x96: {  	(tag) =	ssettag $0x2  }
0x97: {  	s0 =	rddreg [dreg:$0x0];
	s2 =	stileid.u32  }
0x98: {  	s1 =	rddreg [dreg:$0x1];
	p0 =	sne.s32 s2, $0x0  }
0x99: {  	s3 =	rddreg [dreg:$0x2];
	[bflag:$0x3] =	sbarrier.arrive $0xFFFF;
	s2 =	simm.s32 @!p0 $0x1C01  }
0x9a: {  	[timem:s3], [sflag:s2] =	dma.local @!p0 [hbm:s0], s1  }
0x9b: {  	s0 =	simm.s32 @!p0 $0x1  }
0x9c: {  	_ =	swait.ge @!p0 [sflag:s0], s1  }
0x9d: {  	s1 =	ssub.s32 @!p0 $0x0, s1;
	[sflag:s0] =	ssyncset.done @!p0 $0x0  }
0x9e: {  	[sflag:s0] =	ssyncadd.s32 @!p0 s1  }
0x9f: {  	[bflag:$0x3] =	sbarrier.arrive $0xFFFF  }
0xa0: {  	_ =	shalt  }

</sc_bundles>
